<compile_context>
chip_gen: v7x
topology: tpu7x:2x2x1
jax: 0.10.2.dev20260603
libtpu: 0.0.44.dev20260713+nightly
codegen_flags: <defaults>
</compile_context>

<pallas_src>
import functools

import jax
import jax.numpy as jnp
from jax import lax
from jax.experimental import pallas as pl
from jax.experimental.pallas import tpu as pltpu
from jax.experimental.pallas import tpu_sc as plsc

D = 8192
B = 4 * 2048
NC, NS = 2, 16
NW = NC * NS
B_PER_W = B // NW
C = 8
NCHUNK = B_PER_W // C

_mesh = plsc.VectorSubcoreMesh(core_axis_name="c", subcore_axis_name="s")


@functools.partial(
    pl.kernel,
    mesh=_mesh,
    out_type=jax.ShapeDtypeStruct((NW, NCHUNK, C, D), jnp.float32),
    scratch_types=[
        pltpu.VMEM((NCHUNK, C), jnp.int32),
        pltpu.VMEM((C, D), jnp.float32),
        pltpu.SemaphoreType.DMA,
    ],
)
def _gather_sc(x_hbm, table_hbm, out_hbm, idx_v, rows_v, gsem):
    wid = lax.axis_index("s") * NC + lax.axis_index("c")
    pltpu.sync_copy(x_hbm.at[wid], idx_v)

    def step(c, carry):
        pltpu.async_copy(table_hbm.at[idx_v.at[c]], rows_v, gsem).wait()
        pltpu.sync_copy(rows_v, out_hbm.at[wid, c])
        return carry

    lax.fori_loop(0, NCHUNK, step, 0)


def kernel(x, table):
    xf = x.reshape(NW, NCHUNK, C)
    out = _gather_sc(xf, table)
    return out.reshape(4, 2048, D)

# --- scband reference (transcript-rebuilt; emitter-appended) ---
"""Pipeline reference for scband-bigram-lm-18296560681287 (READ-ONLY COPY).

The authoritative reference and input builder live on the scoring server;
editing this copy changes nothing except your own understanding.
"""

import jax, jax.numpy as jnp
import numpy as np

VOCAB = 8192
BATCH = 4
SEQ = 2048

def setup_inputs(seed: int = 0) -> dict:
    key = jax.random.key(seed)
    k_idx, k_tab = jax.random.split(key)
    x = jax.random.randint(k_idx, (BATCH, SEQ), 0, VOCAB, dtype=jnp.int32)
    # nn.Embedding default init: N(0, 1)
    table = jax.random.normal(k_tab, (VOCAB, VOCAB), dtype=jnp.float32)
    return {"x": x, "table": table}

def reference(x, table):
    # BigramLM.forward: self.table(x) -> embedding row gather
    return jnp.take(table, x, axis=0)

if __name__ == "__main__":
    import jax
    _d = setup_inputs()
    print(jax.jit(kernel)(*tuple(_d.values())))

</pallas_src>

<mosaic_0001>
#map = affine_map<(d0, d1) -> (0, 0, 0)>
#map1 = affine_map<(d0, d1) -> (0, 0)>
#map2 = affine_map<(d0, d1) -> (0, 0, 0, 0)>
module attributes {stable_mosaic.version = 14 : i64} {
  func.func @_gather_sc(%arg0: i32, %arg1: i32, %arg2: memref<32x32x8xi32, #tpu.memory_space<hbm>>, %arg3: memref<8192x8192xf32, #tpu.memory_space<hbm>>, %arg4: memref<32x32x8x8192xf32, #tpu.memory_space<hbm>>, %arg5: memref<32x8xi32, #tpu.memory_space<vmem>>, %arg6: memref<8x8192xf32, #tpu.memory_space<vmem>>, %arg7: memref<!tpu.dma_semaphore, #tpu.memory_space<semaphore_mem>>) attributes {dimension_semantics = [#tpu.dimension_semantics<core_parallel>, #tpu.dimension_semantics<subcore_parallel>], iteration_bounds = array<i64: 2, 16>, scalar_prefetch = 0 : i64, scratch_operands = 3 : i64, tpu.core_type = #tpu.core_type<sc_vector_subcore>, window_params = [{transform_indices = #map}, {transform_indices = #map1}, {transform_indices = #map2}]} {
    %mul3A = arith.constant 2 : i32
    %mul3A_0 = arith.muli %arg1, %mul3A : i32
    %add3A = arith.addi %mul3A_0, %arg0 : i32
    "tpu.region"() ({
      %run_scoped3A = tpu.sem_alloc : memref<!tpu.dma_semaphore, #tpu.memory_space<semaphore_mem>>
      %dma_start3A = arith.constant 0 : i32
      %dma_start3A_6 = arith.constant 0 : i32
      %dma_start3A_7 = tpu.memref_slice %arg2[%add3A, %dma_start3A, %dma_start3A_6] : memref<32x32x8xi32, #tpu.memory_space<hbm>> -> memref<1x32x8xi32, #tpu.memory_space<hbm>>
      %dma_start3A_8 = tpu.memref_squeeze %dma_start3A_7 : memref<1x32x8xi32, #tpu.memory_space<hbm>> -> memref<32x8xi32, #tpu.memory_space<hbm>>
      %dma_start3A_9 = arith.constant 0 : i32
      %dma_start3A_10 = arith.constant 0 : i32
      %dma_start3A_11 = tpu.memref_slice %arg2[%add3A, %dma_start3A_9, %dma_start3A_10] : memref<32x32x8xi32, #tpu.memory_space<hbm>> -> memref<1x32x8xi32, #tpu.memory_space<hbm>>
      %dma_start3A_12 = tpu.memref_squeeze %dma_start3A_11 : memref<1x32x8xi32, #tpu.memory_space<hbm>> -> memref<32x8xi32, #tpu.memory_space<hbm>>
      tpu.enqueue_dma source(%dma_start3A_12 : memref<32x8xi32, #tpu.memory_space<hbm>>) target(%arg5 : memref<32x8xi32, #tpu.memory_space<vmem>>) target_semaphore(%run_scoped3A : memref<!tpu.dma_semaphore, #tpu.memory_space<semaphore_mem>>)
      %dma_wait3A = arith.constant 0 : i32
      %dma_wait3A_13 = arith.constant 0 : i32
      %dma_wait3A_14 = tpu.memref_slice %arg2[%add3A, %dma_wait3A, %dma_wait3A_13] : memref<32x32x8xi32, #tpu.memory_space<hbm>> -> memref<1x32x8xi32, #tpu.memory_space<hbm>>
      %dma_wait3A_15 = tpu.memref_squeeze %dma_wait3A_14 : memref<1x32x8xi32, #tpu.memory_space<hbm>> -> memref<32x8xi32, #tpu.memory_space<hbm>>
      %dma_wait3A_16 = arith.constant 0 : i32
      %dma_wait3A_17 = arith.constant 0 : i32
      %dma_wait3A_18 = tpu.memref_slice %arg2[%add3A, %dma_wait3A_16, %dma_wait3A_17] : memref<32x32x8xi32, #tpu.memory_space<hbm>> -> memref<1x32x8xi32, #tpu.memory_space<hbm>>
      %dma_wait3A_19 = tpu.memref_squeeze %dma_wait3A_18 : memref<1x32x8xi32, #tpu.memory_space<hbm>> -> memref<32x8xi32, #tpu.memory_space<hbm>>
      tpu.wait_dma2 semaphore(%run_scoped3A : memref<!tpu.dma_semaphore, #tpu.memory_space<semaphore_mem>>) src(%dma_wait3A_19 : memref<32x8xi32, #tpu.memory_space<hbm>>) dst(%arg5 : memref<32x8xi32, #tpu.memory_space<vmem>>)
      tpu.yield
    }) : () -> ()
    %scan3A = arith.constant 0 : i32
    %scan3A_1 = arith.constant 0 : i32
    %scan3A_2 = arith.constant 32 : i32
    %scan3A_3 = arith.addi %scan3A_1, %scan3A_2 : i32
    %scan3A_4 = arith.constant 1 : i32
    scf.for %scan3A_6 = %scan3A_1 to %scan3A_3 step %scan3A_4  : i32 {
      %dma_start3A = arith.constant 0 : i32
      %dma_start3A_7 = tpu.memref_slice %arg5[%scan3A_6, %dma_start3A] : memref<32x8xi32, #tpu.memory_space<vmem>> -> memref<1x8xi32, #tpu.memory_space<vmem>>
      %dma_start3A_8 = tpu.memref_squeeze %dma_start3A_7 : memref<1x8xi32, #tpu.memory_space<vmem>> -> memref<8xi32, #tpu.memory_space<vmem>>
      %dma_start3A_9 = arith.constant 0 : i32
      %dma_start3A_10 = arith.constant 0 : i32
      %dma_start3A_11 = tpu.memref_slice %arg3[%dma_start3A_9, %dma_start3A_10] : memref<8192x8192xf32, #tpu.memory_space<hbm>> -> memref<8192x8192xf32, #tpu.memory_space<hbm>>
      tpu.enqueue_indirect_dma source(%dma_start3A_11 : memref<8192x8192xf32, #tpu.memory_space<hbm>>) target(%arg6 : memref<8x8192xf32, #tpu.memory_space<vmem>>) offsets(%dma_start3A_8 : memref<8xi32, #tpu.memory_space<vmem>>) semaphore(%arg7 : memref<!tpu.dma_semaphore, #tpu.memory_space<semaphore_mem>>)
      %dma_wait3A = arith.constant 0 : i32
      %dma_wait3A_12 = tpu.memref_slice %arg5[%scan3A_6, %dma_wait3A] : memref<32x8xi32, #tpu.memory_space<vmem>> -> memref<1x8xi32, #tpu.memory_space<vmem>>
      %dma_wait3A_13 = tpu.memref_squeeze %dma_wait3A_12 : memref<1x8xi32, #tpu.memory_space<vmem>> -> memref<8xi32, #tpu.memory_space<vmem>>
      %dma_wait3A_14 = arith.constant 0 : i32
      %dma_wait3A_15 = arith.constant 0 : i32
      %dma_wait3A_16 = tpu.memref_slice %arg3[%dma_wait3A_14, %dma_wait3A_15] : memref<8192x8192xf32, #tpu.memory_space<hbm>> -> memref<8192x8192xf32, #tpu.memory_space<hbm>>
      tpu.wait_indirect_dma semaphore(%arg7 : memref<!tpu.dma_semaphore, #tpu.memory_space<semaphore_mem>>) src(%dma_wait3A_16 : memref<8192x8192xf32, #tpu.memory_space<hbm>>) dst(%arg6 : memref<8x8192xf32, #tpu.memory_space<vmem>>)
      "tpu.region"() ({
        %run_scoped3A = tpu.sem_alloc : memref<!tpu.dma_semaphore, #tpu.memory_space<semaphore_mem>>
        %dma_start3A_17 = arith.constant 0 : i32
        %dma_start3A_18 = arith.constant 0 : i32
        %dma_start3A_19 = tpu.memref_slice %arg4[%add3A, %scan3A_6, %dma_start3A_17, %dma_start3A_18] : memref<32x32x8x8192xf32, #tpu.memory_space<hbm>> -> memref<1x1x8x8192xf32, #tpu.memory_space<hbm>>
        %dma_start3A_20 = tpu.memref_squeeze %dma_start3A_19 : memref<1x1x8x8192xf32, #tpu.memory_space<hbm>> -> memref<8x8192xf32, #tpu.memory_space<hbm>>
        %dma_start3A_21 = arith.constant 0 : i32
        %dma_start3A_22 = arith.constant 0 : i32
        %dma_start3A_23 = tpu.memref_slice %arg4[%add3A, %scan3A_6, %dma_start3A_21, %dma_start3A_22] : memref<32x32x8x8192xf32, #tpu.memory_space<hbm>> -> memref<1x1x8x8192xf32, #tpu.memory_space<hbm>>
        %dma_start3A_24 = tpu.memref_squeeze %dma_start3A_23 : memref<1x1x8x8192xf32, #tpu.memory_space<hbm>> -> memref<8x8192xf32, #tpu.memory_space<hbm>>
        tpu.enqueue_dma source(%arg6 : memref<8x8192xf32, #tpu.memory_space<vmem>>) target(%dma_start3A_24 : memref<8x8192xf32, #tpu.memory_space<hbm>>) target_semaphore(%run_scoped3A : memref<!tpu.dma_semaphore, #tpu.memory_space<semaphore_mem>>)
        %dma_wait3A_25 = arith.constant 0 : i32
        %dma_wait3A_26 = arith.constant 0 : i32
        %dma_wait3A_27 = tpu.memref_slice %arg4[%add3A, %scan3A_6, %dma_wait3A_25, %dma_wait3A_26] : memref<32x32x8x8192xf32, #tpu.memory_space<hbm>> -> memref<1x1x8x8192xf32, #tpu.memory_space<hbm>>
        %dma_wait3A_28 = tpu.memref_squeeze %dma_wait3A_27 : memref<1x1x8x8192xf32, #tpu.memory_space<hbm>> -> memref<8x8192xf32, #tpu.memory_space<hbm>>
        %dma_wait3A_29 = arith.constant 0 : i32
        %dma_wait3A_30 = arith.constant 0 : i32
        %dma_wait3A_31 = tpu.memref_slice %arg4[%add3A, %scan3A_6, %dma_wait3A_29, %dma_wait3A_30] : memref<32x32x8x8192xf32, #tpu.memory_space<hbm>> -> memref<1x1x8x8192xf32, #tpu.memory_space<hbm>>
        %dma_wait3A_32 = tpu.memref_squeeze %dma_wait3A_31 : memref<1x1x8x8192xf32, #tpu.memory_space<hbm>> -> memref<8x8192xf32, #tpu.memory_space<hbm>>
        tpu.wait_dma2 semaphore(%run_scoped3A : memref<!tpu.dma_semaphore, #tpu.memory_space<semaphore_mem>>) src(%arg6 : memref<8x8192xf32, #tpu.memory_space<vmem>>) dst(%dma_wait3A_32 : memref<8x8192xf32, #tpu.memory_space<hbm>>)
        tpu.yield
      }) : () -> ()
    }
    %scan3A_5 = arith.constant 32 : i32
    return
  }
}

</mosaic_0001>

<sc_bundles>
// kernel: kernel.3.cloned.1.call-start
scs
__scs_entry_jumppad:
0x0: {  	(pc) =	sbr.rel $0x88, $3  }
0x1: {  	(tag) =	ssettag $0x0;
	lr =	simm.s32 $0x1  }
0x2: {  	[smem:$0x3F9F] =	sst lr;
	_ =	strace $0xD0000000  }
0x3: {  	_ = 	snop  }
0x4: {  	_ = 	snop  }
0x5: {  	_ = 	snop  }
0x6: {  	_ = 	snop  }
0x7: {  	_ = 	snop  }
__scs_overlays_trampoline_lowered:
0x8: {  	[smem:$0x3FAE] =	sst s0  }
0x9: {  	[smem:$0x3FAF] =	sst s1  }
0xa: {  	[smem:$0x3FB0] =	sst s2  }
0xb: {  	[smem:$0x3FB1] =	sst s3  }
0xc: {  	[smem:$0x3FB2] =	sst s4  }
0xd: {  	[smem:$0x3FB3] =	sst s5  }
0xe: {  	[smem:$0x3FB4] =	sst s6  }
0xf: {  	[smem:$0x3FB5] =	sst s7  }
0x10: {  	[smem:$0x3FB6] =	sst s8  }
0x11: {  	[smem:$0x3FB7] =	sst s9;
	s0 =	simm.s32 @!p0 $0x0  }
0x12: {  	s1 =	sld [smem:$0x3F9D];
	s0 =	simm.s32 @p0 $0x1  }
0x13: {  	[smem:$0x3FB8] =	sst s0;
	s0 =	simm.s32 @!p1 $0x0  }
0x14: {  	s2 =	sld [smem:$0x3F9C];
	s0 =	simm.s32 @p1 $0x1  }
0x15: {  	[smem:$0x3FB9] =	sst s0;
	s0 =	simm.s32 @!p2 $0x0  }
0x16: {  	s3 =	sld [smem:$0x3FDB];
	s0 =	simm.s32 @p2 $0x1  }
0x17: {  	s4 =	simm.s32 $0x1BF5;
	[smem:$0x3FBB] =	sst s0  }
0x18: {  	s0 =	sld [smem:$0x3F9E];
	_ =	swait.ge [sflag:s4], $0x0  }
0x19: {  	s7 =	sld [smem:$0x3F9F]  }
0x1a: {  	s8 =	sadd.s32 $0xFFFFE003, lr  }
0x1b: {  	s9 =	sadd.s32 $0xFFFFFEF7, lr;
	s5 =	simm.s32 $0xFFFFFFFF;
	p2 =	slt.u32 s8, $0xFFFFF086  }
0x1c: {  	p1 =	slt.u32 s9, $0xF7A;
	s5 =	simm.s32 @!p2 $0x0  }
0x1d: {  	s5 =	simm.s32 @p1 $0x1;
	p0 =	seq.s32 s7, s2  }
0x1e: {  	s7 =	smul.u32 @!p0 $0xF7A, s2;
	p2 =	seq.s32 @!p0 s5, $0x0  }
0x1f: {  	s9 =	smul.u32 $0xF7A, s1;
	s8 =	simm.s32 @!p0 $0x1BF5;
	p2 =	por !p2, p0  }
0x20: {  	[sflag:s8] =	ssyncset.s32 @!p0 $0xFFFFF086;
	s6 =	sadd.s32 @!p0 s3, s7;
	s7 =	simm.s32 @!p0 $0x108  }
0x21: {  	s3 =	sadd.s32 s3, s9;
	s6 =	sadd.s32 @!p0 $0x88, s6;
	s7 =	simm.s32 @p2 $0x1082  }
0x22: {  	[simem:s7], [sflag:s8] =	dma.local @!p0 [hbm:s6], $0xF7A  }
0x23: {  	s9 =	sor.u32 $0xD0000000, s2;
	s6 =	simm.s32 $0x108;
	_ =	swait.ge @!p0 [sflag:s8], $0x0  }
0x24: {  	s3 =	sadd.s32 $0x88, s3;
	s6 =	simm.s32 @!p1 $0x1082;
	[sflag:s4] =	ssyncset.s32 $0xFFFFF086  }
0x25: {  	[simem:s6], [sflag:s4] =	dma.local [hbm:s3], $0xF7A  }
0x26: {  	[smem:$0x3F9F] =	sst s1;
	(tag) =	ssettag s2;
	_ =	strace s9  }
0x27: {  	s1 =	sld [smem:$0x3FAF]  }
0x28: {  	s2 =	sld [smem:$0x3FB0]  }
0x29: {  	s4 =	sld [smem:$0x3FB2]  }
0x2a: {  	p0 =	seq.s32 s5, $0x0;
	s5 =	sld [smem:$0x3FB3]  }
0x2b: {  	s6 =	sld [smem:$0x3FB4]  }
0x2c: {  	s7 =	sld [smem:$0x3FB5]  }
0x2d: {  	s3 =	simm.s32 $0x108;
	s8 =	sld [smem:$0x3FB6]  }
0x2e: {  	s3 =	simm.s32 @!p0 $0x1082;
	s9 =	sld [smem:$0x3FB7]  }
0x2f: {  	lr =	sadd.s32 s0, s3;
	s0 =	sld [smem:$0x3FAE]  }
0x30: {  	s3 =	sld [smem:$0x3FB1]  }
0x31: {  	[smem:$0x3FBA] =	sst s10  }
0x32: {  	s10 =	sld [smem:$0x3FB8];
	_ =	sdelay $0x3  }
0x33: {  	p0 =	seq.s32 s10, $0x1;
	s10 =	sld [smem:$0x3FBA];
	_ =	sdelay $0x3  }
0x34: {  	[smem:$0x3FBA] =	sst s10  }
0x35: {  	s10 =	sld [smem:$0x3FB9];
	_ =	sdelay $0x3  }
0x36: {  	p1 =	seq.s32 s10, $0x1;
	s10 =	sld [smem:$0x3FBA];
	_ =	sdelay $0x3  }
0x37: {  	[smem:$0x3FBA] =	sst s10  }
0x38: {  	s10 =	sld [smem:$0x3FBB]  }
0x39: {  	_ = 	snop;
	(pc) =	sbr.ind lr, $3  }
0x3a: {  	_ = 	snop  }
0x3b: {  	_ = 	snop  }
0x3c: {  	p2 =	seq.s32 s10, $0x1;
	s10 =	sld [smem:$0x3FBA]  }
0x3d: {  	_ =	shalt  }
0x3e: {  	_ =	shalt  }
0x3f: {  	_ =	shalt  }
0x40: {  	_ =	shalt  }
0x41: {  	_ =	shalt  }
0x42: {  	_ =	shalt  }
0x43: {  	_ =	shalt  }
0x44: {  	_ =	shalt  }
0x45: {  	_ =	shalt  }
0x46: {  	_ =	shalt  }
0x47: {  	_ =	shalt  }
0x48: {  	_ =	shalt  }
0x49: {  	_ =	shalt  }
0x4a: {  	_ =	shalt  }
0x4b: {  	_ =	shalt  }
0x4c: {  	_ =	shalt  }
0x4d: {  	_ =	shalt  }
0x4e: {  	_ =	shalt  }
0x4f: {  	_ =	shalt  }
0x50: {  	_ =	shalt  }
0x51: {  	_ =	shalt  }
0x52: {  	_ =	shalt  }
0x53: {  	_ =	shalt  }
0x54: {  	_ =	shalt  }
0x55: {  	_ =	shalt  }
0x56: {  	_ =	shalt  }
0x57: {  	_ =	shalt  }
0x58: {  	_ =	shalt  }
0x59: {  	_ =	shalt  }
0x5a: {  	_ =	shalt  }
0x5b: {  	_ =	shalt  }
0x5c: {  	_ =	shalt  }
0x5d: {  	_ =	shalt  }
0x5e: {  	_ =	shalt  }
0x5f: {  	_ =	shalt  }
0x60: {  	_ =	shalt  }
0x61: {  	_ =	shalt  }
0x62: {  	_ =	shalt  }
0x63: {  	_ =	shalt  }
0x64: {  	_ =	shalt  }
0x65: {  	_ =	shalt  }
0x66: {  	_ =	shalt  }
0x67: {  	_ =	shalt  }
0x68: {  	_ =	shalt  }
0x69: {  	_ =	shalt  }
0x6a: {  	_ =	shalt  }
0x6b: {  	_ =	shalt  }
0x6c: {  	_ =	shalt  }
0x6d: {  	_ =	shalt  }
0x6e: {  	_ =	shalt  }
0x6f: {  	_ =	shalt  }
0x70: {  	_ =	shalt  }
0x71: {  	_ =	shalt  }
0x72: {  	_ =	shalt  }
0x73: {  	_ =	shalt  }
0x74: {  	_ =	shalt  }
0x75: {  	_ =	shalt  }
0x76: {  	_ =	shalt  }
0x77: {  	_ =	shalt  }
0x78: {  	_ =	shalt  }
0x79: {  	_ =	shalt  }
0x7a: {  	_ =	shalt  }
0x7b: {  	_ =	shalt  }
0x7c: {  	_ =	shalt  }
0x7d: {  	_ =	shalt  }
0x7e: {  	_ =	shalt  }
0x7f: {  	_ =	shalt  }
0x80: {  	_ =	shalt  }
0x81: {  	_ =	shalt  }
0x82: {  	_ =	shalt  }
0x83: {  	_ =	shalt  }
0x84: {  	_ =	shalt  }
0x85: {  	_ =	shalt  }
0x86: {  	_ =	shalt  }
0x87: {  	_ =	shalt  }
.Lfunc_end0:
.L_simem_size_0:
called_computation_lowered:
.L_overlay_start_0:
0x88: {  	s2 =	sld [smem:$0x3FD9]  }
0x89: {  	s3 =	sld [smem:$0x3FFE];
	_ =	sdelay $0x1  }
0x8a: {  	s1 =	srdreg.scid  }
0x8b: {  	s0 =	sand.u32 $0x1, s1  }
0x8c: {  	s17 =	sshll.u32 s0, $0xA;
	s2 =	sadd.s32 s3, s2  }
0x8d: {  	s2 =	sadd.s32 s2, s17  }
0x8e: {  	[smem:$0x3FC6] =	sst s2  }
0x8f: {  	_ = 	snop  }
0x90: {  	s2 =	sld [smem:$0x3FC8]  }
0x91: {  	s18 =	sld [smem:$0x3FD0];
	(tm) =	ssettm $0x1  }
0x92: {  	s4 =	sld [smem:$0x3FFB];
	_ =	sdelay $0x3  }
0x93: {  	_ =	strace s4  }
0x94: {  	s4 =	sld [smem:$0x3FFC];
	_ =	sdelay $0x3  }
0x95: {  	_ =	strace s4  }
0x96: {  	s4 =	sld [smem:$0x3FFD];
	_ =	sdelay $0x3  }
0x97: {  	_ =	strace s4  }
0x98: {  	_ =	strace $0x8FFFFFFF  }
0x99: {  	s19 =	sld [smem:$0x3FDB];
	_ =	sdelay $0x1  }
0x9a: {  	s5 =	simm.s32 $_scs_section_size  }
0x9b: {  	s6 =	simm.s32 $_size__tile_overlayer_lowered;
	s7 =	simm.s32 $_tile_overlayer_lowered  }
0x9c: {  	s22 =	simm.s32 $0x1BFF;
	s21 =	sshll.u32 s7, $0x1;
	s4 =	sadd.s32 s5, s19  }
0x9d: {  	s8 =	simm.s32 $0x0;
	s20 =	sshll.u32 s6, $0x1;
	s6 =	sadd.s32 s21, s4  }
0x9e: {  	[timem:s8], [sflag:s22] =	dma.local [hbm:s6], s20  }
0x9f: {  	_ =	swait.ge [sflag:s22], s20  }
0xa0: {  	s5 =	ssub.s32 $0x0, s20;
	[sflag:s22] =	ssyncset.done $0x0  }
0xa1: {  	[sflag:s22] =	ssyncadd.s32 s5;
	_ =	sdelay $0x1  }
0xa2: {  	s23 =	simm.s32 $0x1B8B  }
0xa3: {  	_ =	swait.ge [sflag:s23], $0x1  }
0xa4: {  	[sflag:s23] =	ssyncset.done $0x0  }
0xa5: {  	s25 =	simm.s32 $0x1B8E;
	s24 =	sld [smem:$0x3FFE];
	[sflag:s23] =	ssyncadd.s32 $0xFFFFFFFF  }
0xa6: {  	s26 =	simm.s32 $execute0_lowered;
	[smem:$0x3FD2] =	sst s25  }
0xa7: {  	s6 =	sshll.u32 s26, $0x1;
	_ =	strace $0x80000046;
	[dreg:$0x1] =	wrdreg $0xFFFFFFFF  }
0xa8: {  	s28 =	simm.s32 $_size_execute0_lowered;
	s4 =	sadd.s32 s4, s6;
	[dreg:$0x0] =	wrdreg $0x0  }
0xa9: {  	s6 =	sshll.u32 s28, $0x1;
	[dreg:$0x2] =	wrdreg s4  }
0xaa: {  	[dreg:$0x3] =	wrdreg s6  }
0xab: {  	[dreg:$0x4] =	wrdreg $0xC0  }
0xac: {  	_ =	task [dreg:s8], $0x5FFFF  }
0xad: {  	[dreg:$0x1] =	wrdreg $0xFFFFFFFF  }
0xae: {  	[dreg:$0x0] =	wrdreg $0x60  }
0xaf: {  	[dreg:$0x2] =	wrdreg s24  }
0xb0: {  	[dreg:$0x3] =	wrdreg s2  }
0xb1: {  	[dreg:$0x4] =	wrdreg s18  }
0xb2: {  	[dreg:$0x5] =	wrdreg $0x9  }
0xb3: {  	_ =	task.clear_ibuf [dreg:s8], $0x6FFFF;
	_ =	strace $0x90000046  }
0xb4: {  	s29 =	simm.s32 $0x9;
	_ =	strace $0x80000048  }
0xb5: {  	_ =	swait.ge [sflag:s29], $0x1  }
0xb6: {  	[sflag:s29] =	ssyncadd.s32 $0xFFFFFFFF  }
0xb7: {  	_ =	strace $0x90000048  }
0xb8: {  	_ =	sfence  }
0xb9: {  	s30 =	sld [smem:$0x0];
	_ =	sdelay $0x2  }
0xba: {  	s31 =	sshll.u32 s1, $0xD;
	s1 =	sshrl.u32 s1, $0x2  }
0xbb: {  	s3 =	sand.u32 $0x4000, s31;
	s1 =	sadd.s32 s1, s30  }
0xbc: {  	s0 =	sor.u32 s3, s0;
	s1 =	sshll.u32 s1, $0x11  }
0xbd: {  	s0 =	sor.u32 s1, s0  }
0xbe: {  	s0 =	sadd.s32 $0x8F2B, s0  }
0xbf: {  	[sflag:s0] =	ssyncadd.remote.s32 $0x1  }
0xc0: {  	_ =	sfence.sel $0xFFFF  }
0xc1: {  	[dreg:$0x0] =	wrdreg $0xFFFFFFFF;
	(pc) =	sbr.abs _section_cstart, $3  }
0xc2: {  	[dreg:$0x1] =	wrdreg $0xFFFFFFFF  }
0xc3: {  	_ =	task.clear_ibuf [dreg:s8], $0x2FFFF;
	_ =	strace $0x9FFFFFFF  }
0xc4: {  	(tm) =	ssettm $0x7FFFFFFF  }
0xc5: {  	_ =	shalt  }
tec
execute0_lowered:
.L_overlay_start_1:
0x0: {  	(tag) =	ssettag $0x1  }
0x1: {  	s3 =	rddreg [dreg:$0x0]  }
0x2: {  	s1 =	rddreg [dreg:$0x1]  }
0x3: {  	s0 =	rddreg [dreg:$0x2];
	s2 =	simm.s32 $0x0  }
0x4: {  	[smem:$0x7FF] =	sst s2;
	s4 =	sadd.s32 $0x100, s1  }
0x5: {  	s22 =	sadd.s32 $0x200, s1;
	_ =	strace $0x80000047;
	[dreg:$0x4] =	wrdreg s4  }
0x6: {  	s23 =	sadd.s32 $0x300, s1;
	[dreg:$0x5] =	wrdreg s22  }
0x7: {  	s24 =	sadd.s32 $0x400, s1;
	[dreg:$0x6] =	wrdreg s23  }
0x8: {  	s25 =	sadd.s32 $0x500, s1;
	[dreg:$0x7] =	wrdreg s24  }
0x9: {  	s26 =	sadd.s32 $0x600, s1;
	[dreg:$0x8] =	wrdreg s25  }
0xa: {  	s5 =	sadd.s32 $0x700, s1;
	[dreg:$0x9] =	wrdreg s26  }
0xb: {  	s6 =	sadd.s32 $0x800, s1;
	[dreg:$0xa] =	wrdreg s5  }
0xc: {  	s7 =	sadd.s32 $0x900, s1;
	[dreg:$0xb] =	wrdreg s6  }
0xd: {  	s8 =	sadd.s32 $0xA00, s1;
	[dreg:$0xc] =	wrdreg s7  }
0xe: {  	s9 =	sadd.s32 $0xB00, s1;
	[dreg:$0xd] =	wrdreg s8  }
0xf: {  	s10 =	sadd.s32 $0xC00, s1;
	[dreg:$0xe] =	wrdreg s9  }
0x10: {  	s11 =	sadd.s32 $0xD00, s1;
	[dreg:$0xf] =	wrdreg s10  }
0x11: {  	s12 =	sadd.s32 $0xE00, s1;
	[dreg:$0x10] =	wrdreg s11  }
0x12: {  	s13 =	sadd.s32 $0xF00, s1;
	[dreg:$0x11] =	wrdreg s12  }
0x13: {  	s14 =	sadd.s32 $0x1000, s1;
	[dreg:$0x12] =	wrdreg s13  }
0x14: {  	s15 =	sadd.s32 $0x1100, s1;
	[dreg:$0x13] =	wrdreg s14  }
0x15: {  	s16 =	sadd.s32 $0x1200, s1;
	[dreg:$0x14] =	wrdreg s15  }
0x16: {  	s17 =	sadd.s32 $0x1300, s1;
	[dreg:$0x15] =	wrdreg s16  }
0x17: {  	s18 =	sadd.s32 $0x1400, s1;
	[dreg:$0x16] =	wrdreg s17  }
0x18: {  	s19 =	sadd.s32 $0x1500, s1;
	[dreg:$0x17] =	wrdreg s18  }
0x19: {  	s20 =	sadd.s32 $0x1600, s1;
	[dreg:$0x18] =	wrdreg s19  }
0x1a: {  	s21 =	sadd.s32 $0x1700, s1;
	[dreg:$0x19] =	wrdreg s20  }
0x1b: {  	[dreg:$0x1a] =	wrdreg s21;
	s22 =	sadd.s32 $0x1800, s1  }
0x1c: {  	s23 =	sadd.s32 $0x1900, s1;
	[dreg:$0x1b] =	wrdreg s22  }
0x1d: {  	s24 =	sadd.s32 $0x1A00, s1;
	[dreg:$0x1c] =	wrdreg s23  }
0x1e: {  	s25 =	sadd.s32 $0x1B00, s1;
	[dreg:$0x1d] =	wrdreg s24  }
0x1f: {  	s26 =	sadd.s32 $0x1C00, s1;
	[dreg:$0x1e] =	wrdreg s25  }
0x20: {  	s9 =	sadd.s32 $0x1E00, s1;
	[dreg:$0x1f] =	wrdreg s26  }
0x21: {  	s28 =	simm.s32 $0xF800;
	s11 =	sadd.s32 $0x1F00, s1;
	[smem:$0x7EF] =	sst s9  }
0x22: {  	s29 =	simm.s32 $0x10000;
	s13 =	simm.s32 $0x1800;
	[smem:$0x7F0] =	sst s11  }
0x23: {  	s30 =	simm.s32 $0x10800;
	s14 =	simm.s32 $0x2000;
	[smem:$0x7F1] =	sst s13  }
0x24: {  	s31 =	simm.s32 $0x1;
	s16 =	simm.s32 $0x2800;
	[smem:$0x7F3] =	sst s14  }
0x25: {  	s5 =	srdreg.scid;
	s18 =	simm.s32 $0x3000;
	[smem:$0x7F5] =	sst s16  }
0x26: {  	s8 =	stileid.u32;
	s20 =	simm.s32 $0x3800;
	[smem:$0x7F6] =	sst s18  }
0x27: {  	s21 =	simm.s32 $0x4000;
	s5 =	sand.u32 $0x1, s5;
	[smem:$0x7F7] =	sst s20  }
0x28: {  	s6 =	sshll.u32 s8, $0xA;
	s19 =	sshll.u32 s8, $0x13;
	[smem:$0x7F8] =	sst s21  }
0x29: {  	s23 =	simm.s32 $0x4800;
	s24 =	simm.s32 $0x5000;
	s25 =	simm.s32 $0x5800  }
0x2a: {  	s8 =	simm.s32 $0x1000;
	s26 =	simm.s32 $0x6000;
	s18 =	simm.s32 $0xB000  }
0x2b: {  	s20 =	simm.s32 $0xC000;
	s21 =	simm.s32 $0xC800;
	[smem:$0x7FA] =	sst s23  }
0x2c: {  	s7 =	sshll.u32 s5, $0x9;
	s10 =	ssub.s32 $0x2, s5;
	[smem:$0x7FB] =	sst s24  }
0x2d: {  	s0 =	sadd.s32 s19, s0;
	s22 =	sshll.u32 s5, $0x12;
	[smem:$0x7FC] =	sst s25  }
0x2e: {  	[smem:$0x7FD] =	sst s26;
	s19 =	simm.s32 $0xB800;
	s23 =	simm.s32 $0xD800  }
0x2f: {  	s24 =	simm.s32 $0xE000;
	s25 =	simm.s32 $0xE800;
	s26 =	simm.s32 $0xF000  }
0x30: {  	s6 =	sor.u32 s7, s6;
	s7 =	sadd.s32 $0x1D00, s1;
	s12 =	sshrl.u32 s10, $0x1  }
0x31: {  	s0 =	sadd.s32 s22, s0;
	s3 =	sadd.s32 s6, s3;
	[smem:$0x7EE] =	sst s7  }
0x32: {  	v0 =	vlaneseq.u32;
	s6 =	ssub.s32 s10, s12;
	[smem:$0x7F9] =	sst s0;
	s15 =	sadd.s32 $0x400, s3  }
0x33: {  	v1 =	vshrl.u32 v0, $0x3;
	s22 =	simm.s32 $0xD000;
	s17 =	smax.u32 s6, $0x1;
	[smem:$0x7F2] =	sst s15  }
0x34: {  	vm0 =	vmmov $0xffff;
	v0 =	vand.u32 $0x7, v0;
	v1 =	vmul.u32 $0x8, v1;
	s1 =	simm.s32 $0x0;
	s7 =	simm.s32 $0x2;
	[smem:$0x7F4] =	sst s17  }
.LBB2_1:
0x35: {  	s0 =	sld [smem:$0x7F2];
	_ =	sdelay $0x1  }
0x36: {  	[smem:$0x7ED] =	sst s1  }
0x37: {  	[tilespmem:s2], [sflag:$0x2] =	stream.linear.gather [hbm4b:s0+s2], $0x1000, $0x38;
	[tilespmem:$0x11000] =	vst v63  }
0x38: {  	_ =	swait.ge [sflag:s7], $0x1000  }
0x39: {  	[sflag:s7] =	ssyncset.done $0x0  }
0x3a: {  	s3 =	simm.s32 $0x0;
	[sflag:s7] =	ssyncadd.s32 $0xFFFFF000  }
0x3b: {  	v2 =	vld.msk [tilespmem:s3+$0x0], $0xff;
	_ =	sdelay $0x2  }
0x3c: {  	s16 =	sld [smem:$0x7F3]  }
0x3d: {  	s4 =	sld [smem:$0x7F1]  }
0x3e: {  	s5 =	rddreg [dreg:$0x4];
	v3 =	vshll.u32 v2, $0x6  }
0x3f: {  	s6 =	rddreg [dreg:$0x5];
	v2 =	vand.u32 $0x7, v2;
	v3 =	vand.u32 $0xFFFFFE00, v3  }
0x40: {  	s0 =	sld [smem:$0x7F5];
	v2 =	vor.u32 v2, v3  }
0x41: {  	s1 =	rddreg [dreg:$0x6];
	v2 =	vperm.xlane v2, v0  }
0x42: {  	s9 =	rddreg [dreg:$0x7]  }
0x43: {  	s10 =	sld [smem:$0x7F7];
	v2 =	vadd.s32 v1, v2  }
0x44: {  	s11 =	rddreg [dreg:$0x8]  }
0x45: {  	s12 =	sld [smem:$0x7F8]  }
0x46: {  	s13 =	rddreg [dreg:$0x9]  }
0x47: {  	s17 =	rddreg [dreg:$0x1]  }
0x48: {  	[tilespmem:s8], [sflag:$0x1] =	stream.indirect_vreg.gather [hbm4b:s17+s2], $0x80, v2, vm0, $0xb8;
	[tilespmem:$0x11000] =	vst v63  }
0x49: {  	s14 =	sld [smem:$0x7FA]  }
0x4a: {  	[tilespmem:s4], [sflag:$0x1] =	stream.indirect_vreg.gather [hbm4b:s5+s2], $0x80, v2, vm0, $0xb8;
	[tilespmem:$0x11000] =	vst v63  }
0x4b: {  	s15 =	rddreg [dreg:$0xa]  }
0x4c: {  	[tilespmem:s16], [sflag:$0x1] =	stream.indirect_vreg.gather [hbm4b:s6+s2], $0x80, v2, vm0, $0xb8;
	[tilespmem:$0x11000] =	vst v63  }
0x4d: {  	s6 =	sld [smem:$0x7F6]  }
0x4e: {  	[tilespmem:s0], [sflag:$0x1] =	stream.indirect_vreg.gather [hbm4b:s1+s2], $0x80, v2, vm0, $0xb8;
	[tilespmem:$0x11000] =	vst v63  }
0x4f: {  	s17 =	rddreg [dreg:$0xb]  }
0x50: {  	[tilespmem:s6], [sflag:$0x1] =	stream.indirect_vreg.gather [hbm4b:s9+s2], $0x80, v2, vm0, $0xb8;
	[tilespmem:$0x11000] =	vst v63  }
0x51: {  	s16 =	sld [smem:$0x7FB]  }
0x52: {  	[tilespmem:s10], [sflag:$0x1] =	stream.indirect_vreg.gather [hbm4b:s11+s2], $0x80, v2, vm0, $0xb8;
	[tilespmem:$0x11000] =	vst v63  }
0x53: {  	s0 =	sld [smem:$0x7FC]  }
0x54: {  	[tilespmem:s12], [sflag:$0x1] =	stream.indirect_vreg.gather [hbm4b:s13+s2], $0x80, v2, vm0, $0xb8;
	[tilespmem:$0x11000] =	vst v63  }
0x55: {  	s1 =	rddreg [dreg:$0xc]  }
0x56: {  	[tilespmem:s14], [sflag:$0x1] =	stream.indirect_vreg.gather [hbm4b:s15+s2], $0x80, v2, vm0, $0xb8;
	[tilespmem:$0x11000] =	vst v63  }
0x57: {  	s9 =	sld [smem:$0x7FD]  }
0x58: {  	[tilespmem:s16], [sflag:$0x1] =	stream.indirect_vreg.gather [hbm4b:s17+s2], $0x80, v2, vm0, $0xb8;
	[tilespmem:$0x11000] =	vst v63  }
0x59: {  	s6 =	rddreg [dreg:$0x13]  }
0x5a: {  	[tilespmem:s0], [sflag:$0x1] =	stream.indirect_vreg.gather [hbm4b:s1+s2], $0x80, v2, vm0, $0xb8;
	[tilespmem:$0x11000] =	vst v63  }
0x5b: {  	s10 =	rddreg [dreg:$0xd]  }
0x5c: {  	[tilespmem:s9], [sflag:$0x1] =	stream.indirect_vreg.gather [hbm4b:s10+s2], $0x80, v2, vm0, $0xb8;
	[tilespmem:$0x11000] =	vst v63  }
0x5d: {  	s11 =	rddreg [dreg:$0xe];
	s13 =	simm.s32 $0x6800  }
0x5e: {  	[tilespmem:s13], [sflag:$0x1] =	stream.indirect_vreg.gather [hbm4b:s11+s2], $0x80, v2, vm0, $0xb8;
	[tilespmem:$0x11000] =	vst v63  }
0x5f: {  	s12 =	rddreg [dreg:$0xf];
	s15 =	simm.s32 $0x7000  }
0x60: {  	[tilespmem:s15], [sflag:$0x1] =	stream.indirect_vreg.gather [hbm4b:s12+s2], $0x80, v2, vm0, $0xb8;
	[tilespmem:$0x11000] =	vst v63  }
0x61: {  	s14 =	rddreg [dreg:$0x10];
	s17 =	simm.s32 $0x7800  }
0x62: {  	[tilespmem:s17], [sflag:$0x1] =	stream.indirect_vreg.gather [hbm4b:s14+s2], $0x80, v2, vm0, $0xb8;
	[tilespmem:$0x11000] =	vst v63  }
0x63: {  	s5 =	simm.s32 $0x8000;
	s16 =	rddreg [dreg:$0x11]  }
0x64: {  	[tilespmem:s5], [sflag:$0x1] =	stream.indirect_vreg.gather [hbm4b:s16+s2], $0x80, v2, vm0, $0xb8;
	[tilespmem:$0x11000] =	vst v63  }
0x65: {  	s1 =	rddreg [dreg:$0x12];
	s9 =	simm.s32 $0x8800  }
0x66: {  	[tilespmem:s9], [sflag:$0x1] =	stream.indirect_vreg.gather [hbm4b:s1+s2], $0x80, v2, vm0, $0xb8;
	[tilespmem:$0x11000] =	vst v63  }
0x67: {  	s10 =	rddreg [dreg:$0x14];
	s11 =	simm.s32 $0x9000  }
0x68: {  	[tilespmem:s11], [sflag:$0x1] =	stream.indirect_vreg.gather [hbm4b:s6+s2], $0x80, v2, vm0, $0xb8;
	[tilespmem:$0x11000] =	vst v63  }
0x69: {  	s13 =	simm.s32 $0x9800;
	s12 =	rddreg [dreg:$0x15]  }
0x6a: {  	[tilespmem:s13], [sflag:$0x1] =	stream.indirect_vreg.gather [hbm4b:s10+s2], $0x80, v2, vm0, $0xb8;
	[tilespmem:$0x11000] =	vst v63  }
0x6b: {  	s15 =	simm.s32 $0xA000;
	s14 =	rddreg [dreg:$0x16]  }
0x6c: {  	[tilespmem:s15], [sflag:$0x1] =	stream.indirect_vreg.gather [hbm4b:s12+s2], $0x80, v2, vm0, $0xb8;
	[tilespmem:$0x11000] =	vst v63  }
0x6d: {  	s17 =	simm.s32 $0xA800;
	s16 =	rddreg [dreg:$0x17]  }
0x6e: {  	[tilespmem:s17], [sflag:$0x1] =	stream.indirect_vreg.gather [hbm4b:s14+s2], $0x80, v2, vm0, $0xb8;
	[tilespmem:$0x11000] =	vst v63  }
0x6f: {  	s5 =	rddreg [dreg:$0x19]  }
0x70: {  	[tilespmem:s18], [sflag:$0x1] =	stream.indirect_vreg.gather [hbm4b:s16+s2], $0x80, v2, vm0, $0xb8;
	[tilespmem:$0x11000] =	vst v63  }
0x71: {  	s1 =	rddreg [dreg:$0x18]  }
0x72: {  	[tilespmem:s19], [sflag:$0x1] =	stream.indirect_vreg.gather [hbm4b:s1+s2], $0x80, v2, vm0, $0xb8;
	[tilespmem:$0x11000] =	vst v63  }
0x73: {  	s9 =	rddreg [dreg:$0x1b]  }
0x74: {  	[tilespmem:s20], [sflag:$0x1] =	stream.indirect_vreg.gather [hbm4b:s5+s2], $0x80, v2, vm0, $0xb8;
	[tilespmem:$0x11000] =	vst v63  }
0x75: {  	s6 =	rddreg [dreg:$0x1a]  }
0x76: {  	[tilespmem:s21], [sflag:$0x1] =	stream.indirect_vreg.gather [hbm4b:s6+s2], $0x80, v2, vm0, $0xb8;
	[tilespmem:$0x11000] =	vst v63  }
0x77: {  	s11 =	rddreg [dreg:$0x1d]  }
0x78: {  	[tilespmem:s22], [sflag:$0x1] =	stream.indirect_vreg.gather [hbm4b:s9+s2], $0x80, v2, vm0, $0xb8;
	[tilespmem:$0x11000] =	vst v63  }
0x79: {  	s10 =	rddreg [dreg:$0x1c]  }
0x7a: {  	[tilespmem:s23], [sflag:$0x1] =	stream.indirect_vreg.gather [hbm4b:s10+s2], $0x80, v2, vm0, $0xb8;
	[tilespmem:$0x11000] =	vst v63  }
0x7b: {  	s13 =	rddreg [dreg:$0x1f]  }
0x7c: {  	[tilespmem:s24], [sflag:$0x1] =	stream.indirect_vreg.gather [hbm4b:s11+s2], $0x80, v2, vm0, $0xb8;
	[tilespmem:$0x11000] =	vst v63  }
0x7d: {  	s12 =	rddreg [dreg:$0x1e]  }
0x7e: {  	[tilespmem:s25], [sflag:$0x1] =	stream.indirect_vreg.gather [hbm4b:s12+s2], $0x80, v2, vm0, $0xb8;
	[tilespmem:$0x11000] =	vst v63  }
0x7f: {  	s14 =	sld [smem:$0x7EE]  }
0x80: {  	[tilespmem:s26], [sflag:$0x1] =	stream.indirect_vreg.gather [hbm4b:s13+s2], $0x80, v2, vm0, $0xb8;
	[tilespmem:$0x11000] =	vst v63  }
0x81: {  	s15 =	sld [smem:$0x7EF]  }
0x82: {  	[tilespmem:s28], [sflag:$0x1] =	stream.indirect_vreg.gather [hbm4b:s14+s2], $0x80, v2, vm0, $0xb8;
	[tilespmem:$0x11000] =	vst v63  }
0x83: {  	s16 =	sld [smem:$0x7F0]  }
0x84: {  	[tilespmem:s29], [sflag:$0x1] =	stream.indirect_vreg.gather [hbm4b:s15+s2], $0x80, v2, vm0, $0xb8;
	[tilespmem:$0x11000] =	vst v63  }
0x85: {  	_ = 	snop  }
0x86: {  	[tilespmem:s30], [sflag:$0x1] =	stream.indirect_vreg.gather [hbm4b:s16+s2], $0x80, v2, vm0, $0xb8;
	[tilespmem:$0x11000] =	vst v63  }
0x87: {  	_ =	swait.ge [sflag:s31], $0x10000  }
0x88: {  	s17 =	sld [smem:$0x7F9]  }
0x89: {  	[sflag:s31] =	ssyncset.done $0x0  }
0x8a: {  	[sflag:s31] =	ssyncadd.s32 $0xFFFF0000  }
0x8b: {  	[hbm4b:s17+s2] =	stream.linear.scatter [tilespmem:s8], [sflag:$0x2], $0x10000, $0x38;
	[tilespmem:$0x11000] =	vst v63  }
0x8c: {  	s4 =	simm.s32 $0x200;
	_ =	swait.ge [sflag:s7], $0x10000  }
0x8d: {  	s6 =	simm.s32 $0x400;
	s3 =	sadd.s32 $0x2000, s17;
	[sflag:s7] =	ssyncset.done $0x0  }
.LBB2_2:
0x8e: {  	s0 =	sshra.s32 s4, $0x2;
	[sflag:s7] =	ssyncadd.s32 $0xFFFF0000  }
0x8f: {  	v2 =	vld.msk [tilespmem:s0+$0x0], $0xff;
	_ =	sdelay $0x1  }
0x90: {  	s4 =	smov.u32 s6  }
0x91: {  	s5 =	sadd.s32 $0x200, s6;
	p0 =	sne.s32 s6, $0x3E00;
	s6 =	sld [smem:$0x7FD]  }
0x92: {  	s1 =	sld [smem:$0x7FB]  }
0x93: {  	s9 =	sld [smem:$0x7FA];
	v3 =	vshll.u32 v2, $0x6  }
0x94: {  	s10 =	sld [smem:$0x7F8];
	v2 =	vand.u32 $0x7, v2;
	v3 =	vand.u32 $0xFFFFFE00, v3  }
0x95: {  	s11 =	sld [smem:$0x7F7];
	v2 =	vor.u32 v2, v3  }
0x96: {  	s12 =	sld [smem:$0x7F6];
	v2 =	vperm.xlane v2, v0  }
0x97: {  	s13 =	sld [smem:$0x7F5]  }
0x98: {  	s14 =	sld [smem:$0x7F3];
	v2 =	vadd.s32 v1, v2  }
0x99: {  	s15 =	sld [smem:$0x7F1]  }
0x9a: {  	s16 =	rddreg [dreg:$0x4]  }
0x9b: {  	s0 =	sld [smem:$0x7FC]  }
0x9c: {  	s17 =	rddreg [dreg:$0x1]  }
0x9d: {  	[tilespmem:s8], [sflag:$0x1] =	stream.indirect_vreg.gather [hbm4b:s17+s2], $0x80, v2, vm0, $0xb8;
	[tilespmem:$0x11000] =	vst v63  }
0x9e: {  	s17 =	rddreg [dreg:$0x5]  }
0x9f: {  	[tilespmem:s15], [sflag:$0x1] =	stream.indirect_vreg.gather [hbm4b:s16+s2], $0x80, v2, vm0, $0xb8;
	[tilespmem:$0x11000] =	vst v63  }
0xa0: {  	s16 =	rddreg [dreg:$0x6]  }
0xa1: {  	[tilespmem:s14], [sflag:$0x1] =	stream.indirect_vreg.gather [hbm4b:s17+s2], $0x80, v2, vm0, $0xb8;
	[tilespmem:$0x11000] =	vst v63  }
0xa2: {  	s15 =	rddreg [dreg:$0x8]  }
0xa3: {  	[tilespmem:s13], [sflag:$0x1] =	stream.indirect_vreg.gather [hbm4b:s16+s2], $0x80, v2, vm0, $0xb8;
	[tilespmem:$0x11000] =	vst v63  }
0xa4: {  	s17 =	rddreg [dreg:$0x7]  }
0xa5: {  	[tilespmem:s12], [sflag:$0x1] =	stream.indirect_vreg.gather [hbm4b:s17+s2], $0x80, v2, vm0, $0xb8;
	[tilespmem:$0x11000] =	vst v63  }
0xa6: {  	s14 =	rddreg [dreg:$0xc]  }
0xa7: {  	[tilespmem:s11], [sflag:$0x1] =	stream.indirect_vreg.gather [hbm4b:s15+s2], $0x80, v2, vm0, $0xb8;
	[tilespmem:$0x11000] =	vst v63  }
0xa8: {  	s16 =	rddreg [dreg:$0x9]  }
0xa9: {  	[tilespmem:s10], [sflag:$0x1] =	stream.indirect_vreg.gather [hbm4b:s16+s2], $0x80, v2, vm0, $0xb8;
	[tilespmem:$0x11000] =	vst v63  }
0xaa: {  	s17 =	rddreg [dreg:$0xa]  }
0xab: {  	[tilespmem:s9], [sflag:$0x1] =	stream.indirect_vreg.gather [hbm4b:s17+s2], $0x80, v2, vm0, $0xb8;
	[tilespmem:$0x11000] =	vst v63  }
0xac: {  	s13 =	rddreg [dreg:$0xb]  }
0xad: {  	[tilespmem:s1], [sflag:$0x1] =	stream.indirect_vreg.gather [hbm4b:s13+s2], $0x80, v2, vm0, $0xb8;
	[tilespmem:$0x11000] =	vst v63  }
0xae: {  	s12 =	rddreg [dreg:$0x11]  }
0xaf: {  	[tilespmem:s0], [sflag:$0x1] =	stream.indirect_vreg.gather [hbm4b:s14+s2], $0x80, v2, vm0, $0xb8;
	[tilespmem:$0x11000] =	vst v63  }
0xb0: {  	s15 =	rddreg [dreg:$0xd]  }
0xb1: {  	[tilespmem:s6], [sflag:$0x1] =	stream.indirect_vreg.gather [hbm4b:s15+s2], $0x80, v2, vm0, $0xb8;
	[tilespmem:$0x11000] =	vst v63  }
0xb2: {  	s16 =	rddreg [dreg:$0xe];
	s9 =	simm.s32 $0x6800  }
0xb3: {  	[tilespmem:s9], [sflag:$0x1] =	stream.indirect_vreg.gather [hbm4b:s16+s2], $0x80, v2, vm0, $0xb8;
	[tilespmem:$0x11000] =	vst v63  }
0xb4: {  	s11 =	simm.s32 $0x7000;
	s17 =	rddreg [dreg:$0xf]  }
0xb5: {  	[tilespmem:s11], [sflag:$0x1] =	stream.indirect_vreg.gather [hbm4b:s17+s2], $0x80, v2, vm0, $0xb8;
	[tilespmem:$0x11000] =	vst v63  }
0xb6: {  	s10 =	rddreg [dreg:$0x10];
	s13 =	simm.s32 $0x7800  }
0xb7: {  	[tilespmem:s13], [sflag:$0x1] =	stream.indirect_vreg.gather [hbm4b:s10+s2], $0x80, v2, vm0, $0xb8;
	[tilespmem:$0x11000] =	vst v63  }
0xb8: {  	s14 =	rddreg [dreg:$0x12];
	s15 =	simm.s32 $0x8000  }
0xb9: {  	[tilespmem:s15], [sflag:$0x1] =	stream.indirect_vreg.gather [hbm4b:s12+s2], $0x80, v2, vm0, $0xb8;
	[tilespmem:$0x11000] =	vst v63  }
0xba: {  	s6 =	rddreg [dreg:$0x19];
	s17 =	simm.s32 $0x8800  }
0xbb: {  	[tilespmem:s17], [sflag:$0x1] =	stream.indirect_vreg.gather [hbm4b:s14+s2], $0x80, v2, vm0, $0xb8;
	[tilespmem:$0x11000] =	vst v63  }
0xbc: {  	s16 =	rddreg [dreg:$0x13];
	s10 =	simm.s32 $0x9000  }
0xbd: {  	[tilespmem:s10], [sflag:$0x1] =	stream.indirect_vreg.gather [hbm4b:s16+s2], $0x80, v2, vm0, $0xb8;
	[tilespmem:$0x11000] =	vst v63  }
0xbe: {  	s9 =	rddreg [dreg:$0x14];
	s12 =	simm.s32 $0x9800  }
0xbf: {  	[tilespmem:s12], [sflag:$0x1] =	stream.indirect_vreg.gather [hbm4b:s9+s2], $0x80, v2, vm0, $0xb8;
	[tilespmem:$0x11000] =	vst v63  }
0xc0: {  	s11 =	rddreg [dreg:$0x15];
	s14 =	simm.s32 $0xA000  }
0xc1: {  	[tilespmem:s14], [sflag:$0x1] =	stream.indirect_vreg.gather [hbm4b:s11+s2], $0x80, v2, vm0, $0xb8;
	[tilespmem:$0x11000] =	vst v63  }
0xc2: {  	s13 =	rddreg [dreg:$0x16];
	s16 =	simm.s32 $0xA800  }
0xc3: {  	[tilespmem:s16], [sflag:$0x1] =	stream.indirect_vreg.gather [hbm4b:s13+s2], $0x80, v2, vm0, $0xb8;
	[tilespmem:$0x11000] =	vst v63  }
0xc4: {  	s15 =	rddreg [dreg:$0x17]  }
0xc5: {  	[tilespmem:s18], [sflag:$0x1] =	stream.indirect_vreg.gather [hbm4b:s15+s2], $0x80, v2, vm0, $0xb8;
	[tilespmem:$0x11000] =	vst v63  }
0xc6: {  	s17 =	rddreg [dreg:$0x18]  }
0xc7: {  	[tilespmem:s19], [sflag:$0x1] =	stream.indirect_vreg.gather [hbm4b:s17+s2], $0x80, v2, vm0, $0xb8;
	[tilespmem:$0x11000] =	vst v63  }
0xc8: {  	s10 =	rddreg [dreg:$0x1b]  }
0xc9: {  	[tilespmem:s20], [sflag:$0x1] =	stream.indirect_vreg.gather [hbm4b:s6+s2], $0x80, v2, vm0, $0xb8;
	[tilespmem:$0x11000] =	vst v63  }
0xca: {  	s9 =	rddreg [dreg:$0x1a]  }
0xcb: {  	[tilespmem:s21], [sflag:$0x1] =	stream.indirect_vreg.gather [hbm4b:s9+s2], $0x80, v2, vm0, $0xb8;
	[tilespmem:$0x11000] =	vst v63  }
0xcc: {  	s12 =	rddreg [dreg:$0x1d]  }
0xcd: {  	[tilespmem:s22], [sflag:$0x1] =	stream.indirect_vreg.gather [hbm4b:s10+s2], $0x80, v2, vm0, $0xb8;
	[tilespmem:$0x11000] =	vst v63  }
0xce: {  	s11 =	rddreg [dreg:$0x1c]  }
0xcf: {  	[tilespmem:s23], [sflag:$0x1] =	stream.indirect_vreg.gather [hbm4b:s11+s2], $0x80, v2, vm0, $0xb8;
	[tilespmem:$0x11000] =	vst v63  }
0xd0: {  	s14 =	rddreg [dreg:$0x1f]  }
0xd1: {  	[tilespmem:s24], [sflag:$0x1] =	stream.indirect_vreg.gather [hbm4b:s12+s2], $0x80, v2, vm0, $0xb8;
	[tilespmem:$0x11000] =	vst v63  }
0xd2: {  	s13 =	rddreg [dreg:$0x1e]  }
0xd3: {  	[tilespmem:s25], [sflag:$0x1] =	stream.indirect_vreg.gather [hbm4b:s13+s2], $0x80, v2, vm0, $0xb8;
	[tilespmem:$0x11000] =	vst v63  }
0xd4: {  	s15 =	sld [smem:$0x7EE]  }
0xd5: {  	[tilespmem:s26], [sflag:$0x1] =	stream.indirect_vreg.gather [hbm4b:s14+s2], $0x80, v2, vm0, $0xb8;
	[tilespmem:$0x11000] =	vst v63  }
0xd6: {  	s16 =	sld [smem:$0x7EF]  }
0xd7: {  	[tilespmem:s28], [sflag:$0x1] =	stream.indirect_vreg.gather [hbm4b:s15+s2], $0x80, v2, vm0, $0xb8;
	[tilespmem:$0x11000] =	vst v63  }
0xd8: {  	s17 =	sld [smem:$0x7F0]  }
0xd9: {  	[tilespmem:s29], [sflag:$0x1] =	stream.indirect_vreg.gather [hbm4b:s16+s2], $0x80, v2, vm0, $0xb8;
	[tilespmem:$0x11000] =	vst v63  }
0xda: {  	_ = 	snop  }
0xdb: {  	[tilespmem:s30], [sflag:$0x1] =	stream.indirect_vreg.gather [hbm4b:s17+s2], $0x80, v2, vm0, $0xb8;
	[tilespmem:$0x11000] =	vst v63  }
0xdc: {  	_ =	swait.ge [sflag:s31], $0x10000  }
.Ltmp0:
0xdd: {  	[sflag:s31] =	ssyncset.done $0x0;
	(pc) =	sbr.rel @p0 .LBB2_2-.Ltmp0, $4  }
0xde: {  	[sflag:s31] =	ssyncadd.s32 $0xFFFF0000  }
0xdf: {  	[hbm4b:s3+s2] =	stream.linear.scatter [tilespmem:s8], [sflag:$0x2], $0x10000, $0x38;
	[tilespmem:$0x11000] =	vst v63  }
0xe0: {  	_ =	swait.ge [sflag:s7], $0x10000  }
0xe1: {  	s6 =	smov.u32 s5;
	s3 =	sadd.s32 $0x2000, s3;
	[sflag:s7] =	ssyncset.done $0x0  }
0xe2: {  	s0 =	sshra.s32 s4, $0x2;
	[sflag:s7] =	ssyncadd.s32 $0xFFFF0000  }
0xe3: {  	v2 =	vld.msk [tilespmem:s0+$0x0], $0xff;
	_ =	sdelay $0x2  }
0xe4: {  	s11 =	sld [smem:$0x7F3]  }
0xe5: {  	s1 =	sld [smem:$0x7F1]  }
0xe6: {  	s12 =	rddreg [dreg:$0x4];
	v3 =	vshll.u32 v2, $0x6  }
0xe7: {  	s13 =	rddreg [dreg:$0x5];
	v2 =	vand.u32 $0x7, v2;
	v3 =	vand.u32 $0xFFFFFE00, v3  }
0xe8: {  	s14 =	sld [smem:$0x7F5];
	v2 =	vor.u32 v2, v3  }
0xe9: {  	s15 =	rddreg [dreg:$0x6];
	v2 =	vperm.xlane v2, v0  }
0xea: {  	s16 =	sld [smem:$0x7F6]  }
0xeb: {  	s17 =	rddreg [dreg:$0x7];
	v2 =	vadd.s32 v1, v2  }
0xec: {  	s6 =	sld [smem:$0x7F7]  }
0xed: {  	s9 =	rddreg [dreg:$0x8]  }
0xee: {  	s10 =	sld [smem:$0x7F8]  }
0xef: {  	s5 =	rddreg [dreg:$0x1]  }
0xf0: {  	[tilespmem:s8], [sflag:$0x1] =	stream.indirect_vreg.gather [hbm4b:s5+s2], $0x80, v2, vm0, $0xb8;
	[tilespmem:$0x11000] =	vst v63  }
0xf1: {  	s4 =	rddreg [dreg:$0x19]  }
0xf2: {  	[tilespmem:s1], [sflag:$0x1] =	stream.indirect_vreg.gather [hbm4b:s12+s2], $0x80, v2, vm0, $0xb8;
	[tilespmem:$0x11000] =	vst v63  }
0xf3: {  	s5 =	sld [smem:$0x7FD]  }
0xf4: {  	[tilespmem:s11], [sflag:$0x1] =	stream.indirect_vreg.gather [hbm4b:s13+s2], $0x80, v2, vm0, $0xb8;
	[tilespmem:$0x11000] =	vst v63  }
0xf5: {  	s12 =	sld [smem:$0x7FA]  }
0xf6: {  	[tilespmem:s14], [sflag:$0x1] =	stream.indirect_vreg.gather [hbm4b:s15+s2], $0x80, v2, vm0, $0xb8;
	[tilespmem:$0x11000] =	vst v63  }
0xf7: {  	s11 =	rddreg [dreg:$0x9]  }
0xf8: {  	[tilespmem:s16], [sflag:$0x1] =	stream.indirect_vreg.gather [hbm4b:s17+s2], $0x80, v2, vm0, $0xb8;
	[tilespmem:$0x11000] =	vst v63  }
0xf9: {  	s13 =	rddreg [dreg:$0xa]  }
0xfa: {  	[tilespmem:s6], [sflag:$0x1] =	stream.indirect_vreg.gather [hbm4b:s9+s2], $0x80, v2, vm0, $0xb8;
	[tilespmem:$0x11000] =	vst v63  }
0xfb: {  	s14 =	sld [smem:$0x7FB]  }
0xfc: {  	[tilespmem:s10], [sflag:$0x1] =	stream.indirect_vreg.gather [hbm4b:s11+s2], $0x80, v2, vm0, $0xb8;
	[tilespmem:$0x11000] =	vst v63  }
0xfd: {  	s15 =	rddreg [dreg:$0xb]  }
0xfe: {  	[tilespmem:s12], [sflag:$0x1] =	stream.indirect_vreg.gather [hbm4b:s13+s2], $0x80, v2, vm0, $0xb8;
	[tilespmem:$0x11000] =	vst v63  }
0xff: {  	s16 =	sld [smem:$0x7FC]  }
0x100: {  	[tilespmem:s14], [sflag:$0x1] =	stream.indirect_vreg.gather [hbm4b:s15+s2], $0x80, v2, vm0, $0xb8;
	[tilespmem:$0x11000] =	vst v63  }
0x101: {  	s17 =	rddreg [dreg:$0xc]  }
0x102: {  	[tilespmem:s16], [sflag:$0x1] =	stream.indirect_vreg.gather [hbm4b:s17+s2], $0x80, v2, vm0, $0xb8;
	[tilespmem:$0x11000] =	vst v63  }
0x103: {  	s6 =	rddreg [dreg:$0xd]  }
0x104: {  	[tilespmem:s5], [sflag:$0x1] =	stream.indirect_vreg.gather [hbm4b:s6+s2], $0x80, v2, vm0, $0xb8;
	[tilespmem:$0x11000] =	vst v63  }
0x105: {  	s9 =	rddreg [dreg:$0xe];
	s11 =	simm.s32 $0x6800  }
0x106: {  	[tilespmem:s11], [sflag:$0x1] =	stream.indirect_vreg.gather [hbm4b:s9+s2], $0x80, v2, vm0, $0xb8;
	[tilespmem:$0x11000] =	vst v63  }
0x107: {  	s10 =	rddreg [dreg:$0xf];
	s13 =	simm.s32 $0x7000  }
0x108: {  	[tilespmem:s13], [sflag:$0x1] =	stream.indirect_vreg.gather [hbm4b:s10+s2], $0x80, v2, vm0, $0xb8;
	[tilespmem:$0x11000] =	vst v63  }
0x109: {  	s12 =	rddreg [dreg:$0x10];
	s15 =	simm.s32 $0x7800  }
0x10a: {  	[tilespmem:s15], [sflag:$0x1] =	stream.indirect_vreg.gather [hbm4b:s12+s2], $0x80, v2, vm0, $0xb8;
	[tilespmem:$0x11000] =	vst v63  }
0x10b: {  	s14 =	rddreg [dreg:$0x11];
	s17 =	simm.s32 $0x8000  }
0x10c: {  	[tilespmem:s17], [sflag:$0x1] =	stream.indirect_vreg.gather [hbm4b:s14+s2], $0x80, v2, vm0, $0xb8;
	[tilespmem:$0x11000] =	vst v63  }
0x10d: {  	s16 =	rddreg [dreg:$0x12];
	s6 =	simm.s32 $0x8800  }
0x10e: {  	[tilespmem:s6], [sflag:$0x1] =	stream.indirect_vreg.gather [hbm4b:s16+s2], $0x80, v2, vm0, $0xb8;
	[tilespmem:$0x11000] =	vst v63  }
0x10f: {  	s5 =	rddreg [dreg:$0x13];
	s10 =	simm.s32 $0x9000  }
0x110: {  	[tilespmem:s10], [sflag:$0x1] =	stream.indirect_vreg.gather [hbm4b:s5+s2], $0x80, v2, vm0, $0xb8;
	[tilespmem:$0x11000] =	vst v63  }
0x111: {  	s9 =	rddreg [dreg:$0x14];
	s12 =	simm.s32 $0x9800  }
0x112: {  	[tilespmem:s12], [sflag:$0x1] =	stream.indirect_vreg.gather [hbm4b:s9+s2], $0x80, v2, vm0, $0xb8;
	[tilespmem:$0x11000] =	vst v63  }
0x113: {  	s11 =	rddreg [dreg:$0x15];
	s14 =	simm.s32 $0xA000  }
0x114: {  	[tilespmem:s14], [sflag:$0x1] =	stream.indirect_vreg.gather [hbm4b:s11+s2], $0x80, v2, vm0, $0xb8;
	[tilespmem:$0x11000] =	vst v63  }
0x115: {  	s13 =	rddreg [dreg:$0x16];
	s16 =	simm.s32 $0xA800  }
0x116: {  	[tilespmem:s16], [sflag:$0x1] =	stream.indirect_vreg.gather [hbm4b:s13+s2], $0x80, v2, vm0, $0xb8;
	[tilespmem:$0x11000] =	vst v63  }
0x117: {  	s15 =	rddreg [dreg:$0x17]  }
0x118: {  	[tilespmem:s18], [sflag:$0x1] =	stream.indirect_vreg.gather [hbm4b:s15+s2], $0x80, v2, vm0, $0xb8;
	[tilespmem:$0x11000] =	vst v63  }
0x119: {  	s17 =	rddreg [dreg:$0x18]  }
0x11a: {  	[tilespmem:s19], [sflag:$0x1] =	stream.indirect_vreg.gather [hbm4b:s17+s2], $0x80, v2, vm0, $0xb8;
	[tilespmem:$0x11000] =	vst v63  }
0x11b: {  	s6 =	rddreg [dreg:$0x1b]  }
0x11c: {  	[tilespmem:s20], [sflag:$0x1] =	stream.indirect_vreg.gather [hbm4b:s4+s2], $0x80, v2, vm0, $0xb8;
	[tilespmem:$0x11000] =	vst v63  }
0x11d: {  	s5 =	rddreg [dreg:$0x1a]  }
0x11e: {  	[tilespmem:s21], [sflag:$0x1] =	stream.indirect_vreg.gather [hbm4b:s5+s2], $0x80, v2, vm0, $0xb8;
	[tilespmem:$0x11000] =	vst v63  }
0x11f: {  	s10 =	rddreg [dreg:$0x1d]  }
0x120: {  	[tilespmem:s22], [sflag:$0x1] =	stream.indirect_vreg.gather [hbm4b:s6+s2], $0x80, v2, vm0, $0xb8;
	[tilespmem:$0x11000] =	vst v63  }
0x121: {  	s9 =	rddreg [dreg:$0x1c]  }
0x122: {  	[tilespmem:s23], [sflag:$0x1] =	stream.indirect_vreg.gather [hbm4b:s9+s2], $0x80, v2, vm0, $0xb8;
	[tilespmem:$0x11000] =	vst v63  }
0x123: {  	s12 =	rddreg [dreg:$0x1f]  }
0x124: {  	[tilespmem:s24], [sflag:$0x1] =	stream.indirect_vreg.gather [hbm4b:s10+s2], $0x80, v2, vm0, $0xb8;
	[tilespmem:$0x11000] =	vst v63  }
0x125: {  	s11 =	rddreg [dreg:$0x1e]  }
0x126: {  	[tilespmem:s25], [sflag:$0x1] =	stream.indirect_vreg.gather [hbm4b:s11+s2], $0x80, v2, vm0, $0xb8;
	[tilespmem:$0x11000] =	vst v63  }
0x127: {  	s13 =	sld [smem:$0x7EE]  }
0x128: {  	[tilespmem:s26], [sflag:$0x1] =	stream.indirect_vreg.gather [hbm4b:s12+s2], $0x80, v2, vm0, $0xb8;
	[tilespmem:$0x11000] =	vst v63  }
0x129: {  	s14 =	sld [smem:$0x7EF]  }
0x12a: {  	[tilespmem:s28], [sflag:$0x1] =	stream.indirect_vreg.gather [hbm4b:s13+s2], $0x80, v2, vm0, $0xb8;
	[tilespmem:$0x11000] =	vst v63  }
0x12b: {  	s15 =	sld [smem:$0x7F0]  }
0x12c: {  	[tilespmem:s29], [sflag:$0x1] =	stream.indirect_vreg.gather [hbm4b:s14+s2], $0x80, v2, vm0, $0xb8;
	[tilespmem:$0x11000] =	vst v63  }
0x12d: {  	_ = 	snop  }
0x12e: {  	[tilespmem:s30], [sflag:$0x1] =	stream.indirect_vreg.gather [hbm4b:s15+s2], $0x80, v2, vm0, $0xb8;
	[tilespmem:$0x11000] =	vst v63  }
0x12f: {  	_ =	swait.ge [sflag:s31], $0x10000  }
0x130: {  	[sflag:s31] =	ssyncset.done $0x0  }
0x131: {  	[sflag:s31] =	ssyncadd.s32 $0xFFFF0000  }
0x132: {  	[hbm4b:s3+s2] =	stream.linear.scatter [tilespmem:s8], [sflag:$0x2], $0x10000, $0x38;
	[tilespmem:$0x11000] =	vst v63  }
0x133: {  	_ =	swait.ge [sflag:s7], $0x10000  }
0x134: {  	s16 =	sld [smem:$0x7ED]  }
0x135: {  	s17 =	sld [smem:$0x7F4];
	_ =	sdelay $0x1  }
0x136: {  	s1 =	sadd.s32 $0x1, s16  }
0x137: {  	p0 =	sne.s32 s1, s17  }
.Ltmp1:
0x138: {  	_ = 	snop;
	(pc) =	sbr.rel @p0 .LBB2_1-.Ltmp1, $3  }
0x139: {  	_ =	sdelay $0x1  }
0x13a: {  	[sflag:s7] =	ssyncset.done $0x0  }
0x13b: {  	[sflag:s7] =	ssyncadd.s32 $0xFFFF0000  }
0x13c: {  	_ =	sfence.sel $0x180000  }
0x13d: {  	[bflag:$0x0] =	sbarrier.arrive $0xFFFF  }
0x13e: {  	_ =	strace $0x90000047  }
0x13f: {  	s0 =	stileid.u32;
	[bflag:$0x2] =	sbarrier.arrive $0xFFFF  }
0x140: {  	p0 =	sne.s32 s0, $0x0;
	s0 =	rddreg [dreg:$0x3]  }
0x141: {  	s0 =	sadd.s32 @!p0 $0x100000, s0  }
0x142: {  	[sflag:s0] =	ssyncadd.tile.s32 @!p0 $0x1;
	_ =	shalt  }
.Lfunc_end2:
_tile_overlayer_lowered:
.L_overlay_start_2:
0x143: {  	(tag) =	ssettag $0x2  }
0x144: {  	s0 =	rddreg [dreg:$0x0];
	s2 =	stileid.u32  }
0x145: {  	s1 =	rddreg [dreg:$0x1];
	p0 =	sne.s32 s2, $0x0  }
0x146: {  	s3 =	rddreg [dreg:$0x2];
	[bflag:$0x3] =	sbarrier.arrive $0xFFFF;
	s2 =	simm.s32 @!p0 $0x1C02  }
0x147: {  	[timem:s3], [sflag:s2] =	dma.local @!p0 [hbm:s0], s1  }
0x148: {  	s0 =	simm.s32 @!p0 $0x2  }
0x149: {  	_ =	swait.ge @!p0 [sflag:s0], s1  }
0x14a: {  	s1 =	ssub.s32 @!p0 $0x0, s1;
	[sflag:s0] =	ssyncset.done @!p0 $0x0  }
0x14b: {  	[sflag:s0] =	ssyncadd.s32 @!p0 s1  }
0x14c: {  	[bflag:$0x3] =	sbarrier.arrive $0xFFFF  }
0x14d: {  	_ =	shalt  }

</sc_bundles>
